<compile_context>
chip_gen: v7x
topology: tpu7x:2x2x1
jax: 0.10.2.dev20260603
libtpu: 0.0.44.dev20260713+nightly
codegen_flags: <defaults>
</compile_context>

<pallas_src>
import functools

import jax
import jax.numpy as jnp
from jax import lax
from jax.experimental import pallas as pl
from jax.experimental.pallas import tpu as pltpu
from jax.experimental.pallas import tpu_sc as plsc

D = 128
B_TOK = 16384
S = 20
B = B_TOK * S
NC = 2
NS = 16
NW = NC * NS
BPW = B // NW
C = 128
STEPS = BPW // C
K = 2
G = STEPS // K

_mesh = plsc.VectorSubcoreMesh(core_axis_name="c", subcore_axis_name="s")


@functools.partial(
    pl.kernel,
    mesh=_mesh,
    out_type=jax.ShapeDtypeStruct((B, D), jnp.float32),
    scratch_types=[
        pltpu.VMEM((STEPS, C), jnp.int32),
        pltpu.VMEM((2, K, C, D), jnp.float32),
        pltpu.SemaphoreType.DMA,
        pltpu.SemaphoreType.DMA,
    ],
)
def _gather_rows(table_hbm, idx_hbm, out_hbm, idx_v, rows_v, gsem, osem):
    cid = lax.axis_index("c")
    sid = lax.axis_index("s")
    wid = sid * NC + cid
    base = wid * BPW

    pltpu.sync_copy(idx_hbm.at[wid], idx_v)

    for j in range(K):
        pltpu.async_copy(table_hbm.at[idx_v.at[j]], rows_v.at[0, j], gsem)

    def body(g, _):
        h = lax.rem(g, 2)
        hp = 1 - h

        for j in range(K):
            pltpu.make_async_copy(
                table_hbm.at[idx_v.at[0]], rows_v.at[h, j], gsem).wait()

        @pl.when(g > 0)
        def _():
            for j in range(K):
                pltpu.make_async_copy(
                    rows_v.at[hp, j], out_hbm.at[pl.ds(base, C)], osem).wait()

        @pl.when(g + 1 < G)
        def _():
            for j in range(K):
                step = (g + 1) * K + j
                pltpu.async_copy(
                    table_hbm.at[idx_v.at[step]], rows_v.at[hp, j], gsem)

        for j in range(K):
            step = g * K + j
            pltpu.async_copy(
                rows_v.at[h, j], out_hbm.at[pl.ds(base + step * C, C)], osem)
        return 0

    lax.fori_loop(0, G, body, 0)

    for j in range(K):
        pltpu.make_async_copy(
            rows_v.at[0, j], out_hbm.at[pl.ds(base, C)], osem).wait()


def kernel(weight, token_ids):
    idx = jnp.transpose(token_ids.astype(jnp.int32)).reshape(NW, STEPS, C)
    out = _gather_rows(weight, idx)
    return jnp.transpose(out.reshape(S, B_TOK, D), (1, 0, 2))

# --- scband reference (transcript-rebuilt; emitter-appended) ---
"""Pipeline reference for scband-embedding-24309514895793 (READ-ONLY COPY).

The authoritative reference and input builder live on the scoring server;
editing this copy changes nothing except your own understanding.
"""

import jax, jax.numpy as jnp
import numpy as np

NUM_EMBEDDINGS = 100000
EMBEDDING_DIM = 128

def setup_inputs(seed: int = 0) -> dict:
    key = jax.random.key(seed)
    k_w, k_idx = jax.random.split(key)
    # trunc_normal_(mean=0, std=1, a=-3, b=3)
    weight = jax.random.truncated_normal(k_w, -3.0, 3.0, (NUM_EMBEDDINGS, EMBEDDING_DIM), dtype=jnp.float32)
    token_ids = jax.random.randint(k_idx, (16384, 20), 0, NUM_EMBEDDINGS, dtype=jnp.int64)
    return {"weight": weight, "token_ids": token_ids}

def reference(weight, token_ids):
    # Embedding lookup: weight[token_ids]
    return jnp.take(weight, token_ids, axis=0)

if __name__ == "__main__":
    import jax
    _d = setup_inputs()
    print(jax.jit(kernel)(*tuple(_d.values())))

</pallas_src>

<mosaic_0001>
#map = affine_map<(d0, d1) -> (0, 0)>
#map1 = affine_map<(d0, d1) -> (0, 0, 0)>
module attributes {stable_mosaic.version = 14 : i64} {
  func.func @_gather_rows(%arg0: i32, %arg1: i32, %arg2: memref<100000x128xf32, #tpu.memory_space<hbm>>, %arg3: memref<32x80x128xi32, #tpu.memory_space<hbm>>, %arg4: memref<327680x128xf32, #tpu.memory_space<hbm>>, %arg5: memref<80x128xi32, #tpu.memory_space<vmem>>, %arg6: memref<2x2x128x128xf32, #tpu.memory_space<vmem>>, %arg7: memref<!tpu.dma_semaphore, #tpu.memory_space<semaphore_mem>>, %arg8: memref<!tpu.dma_semaphore, #tpu.memory_space<semaphore_mem>>) attributes {dimension_semantics = [#tpu.dimension_semantics<core_parallel>, #tpu.dimension_semantics<subcore_parallel>], iteration_bounds = array<i64: 2, 16>, scalar_prefetch = 0 : i64, scratch_operands = 4 : i64, tpu.core_type = #tpu.core_type<sc_vector_subcore>, window_params = [{transform_indices = #map}, {transform_indices = #map1}, {transform_indices = #map}]} {
    %mul3A = arith.constant 2 : i32
    %mul3A_0 = arith.muli %arg1, %mul3A : i32
    %add3A = arith.addi %mul3A_0, %arg0 : i32
    %mul3A_1 = arith.constant 10240 : i32
    %mul3A_2 = arith.muli %add3A, %mul3A_1 : i32
    "tpu.region"() ({
      %run_scoped3A = tpu.sem_alloc : memref<!tpu.dma_semaphore, #tpu.memory_space<semaphore_mem>>
      %dma_start3A_61 = arith.constant 0 : i32
      %dma_start3A_62 = arith.constant 0 : i32
      %dma_start3A_63 = tpu.memref_slice %arg3[%add3A, %dma_start3A_61, %dma_start3A_62] : memref<32x80x128xi32, #tpu.memory_space<hbm>> -> memref<1x80x128xi32, #tpu.memory_space<hbm>>
      %dma_start3A_64 = tpu.memref_squeeze %dma_start3A_63 : memref<1x80x128xi32, #tpu.memory_space<hbm>> -> memref<80x128xi32, #tpu.memory_space<hbm>>
      %dma_start3A_65 = arith.constant 0 : i32
      %dma_start3A_66 = arith.constant 0 : i32
      %dma_start3A_67 = tpu.memref_slice %arg3[%add3A, %dma_start3A_65, %dma_start3A_66] : memref<32x80x128xi32, #tpu.memory_space<hbm>> -> memref<1x80x128xi32, #tpu.memory_space<hbm>>
      %dma_start3A_68 = tpu.memref_squeeze %dma_start3A_67 : memref<1x80x128xi32, #tpu.memory_space<hbm>> -> memref<80x128xi32, #tpu.memory_space<hbm>>
      tpu.enqueue_dma source(%dma_start3A_68 : memref<80x128xi32, #tpu.memory_space<hbm>>) target(%arg5 : memref<80x128xi32, #tpu.memory_space<vmem>>) target_semaphore(%run_scoped3A : memref<!tpu.dma_semaphore, #tpu.memory_space<semaphore_mem>>)
      %dma_wait3A_69 = arith.constant 0 : i32
      %dma_wait3A_70 = arith.constant 0 : i32
      %dma_wait3A_71 = tpu.memref_slice %arg3[%add3A, %dma_wait3A_69, %dma_wait3A_70] : memref<32x80x128xi32, #tpu.memory_space<hbm>> -> memref<1x80x128xi32, #tpu.memory_space<hbm>>
      %dma_wait3A_72 = tpu.memref_squeeze %dma_wait3A_71 : memref<1x80x128xi32, #tpu.memory_space<hbm>> -> memref<80x128xi32, #tpu.memory_space<hbm>>
      %dma_wait3A_73 = arith.constant 0 : i32
      %dma_wait3A_74 = arith.constant 0 : i32
      %dma_wait3A_75 = tpu.memref_slice %arg3[%add3A, %dma_wait3A_73, %dma_wait3A_74] : memref<32x80x128xi32, #tpu.memory_space<hbm>> -> memref<1x80x128xi32, #tpu.memory_space<hbm>>
      %dma_wait3A_76 = tpu.memref_squeeze %dma_wait3A_75 : memref<1x80x128xi32, #tpu.memory_space<hbm>> -> memref<80x128xi32, #tpu.memory_space<hbm>>
      tpu.wait_dma2 semaphore(%run_scoped3A : memref<!tpu.dma_semaphore, #tpu.memory_space<semaphore_mem>>) src(%dma_wait3A_76 : memref<80x128xi32, #tpu.memory_space<hbm>>) dst(%arg5 : memref<80x128xi32, #tpu.memory_space<vmem>>)
      tpu.yield
    }) : () -> ()
    %dma_start3A = arith.constant 0 : i32
    %dma_start3A_3 = arith.constant 0 : i32
    %dma_start3A_4 = arith.constant 0 : i32
    %dma_start3A_5 = arith.constant 0 : i32
    %dma_start3A_6 = arith.constant 0 : i32
    %dma_start3A_7 = tpu.memref_slice %arg6[%dma_start3A_3, %dma_start3A_4, %dma_start3A_5, %dma_start3A_6] : memref<2x2x128x128xf32, #tpu.memory_space<vmem>> -> memref<1x1x128x128xf32, #tpu.memory_space<vmem>>
    %dma_start3A_8 = tpu.memref_squeeze %dma_start3A_7 : memref<1x1x128x128xf32, #tpu.memory_space<vmem>> -> memref<128x128xf32, #tpu.memory_space<vmem>>
    %dma_start3A_9 = arith.constant 0 : i32
    %dma_start3A_10 = tpu.memref_slice %arg5[%dma_start3A, %dma_start3A_9] : memref<80x128xi32, #tpu.memory_space<vmem>> -> memref<1x128xi32, #tpu.memory_space<vmem>>
    %dma_start3A_11 = tpu.memref_squeeze %dma_start3A_10 : memref<1x128xi32, #tpu.memory_space<vmem>> -> memref<128xi32, #tpu.memory_space<vmem>>
    %dma_start3A_12 = arith.constant 0 : i32
    %dma_start3A_13 = arith.constant 0 : i32
    %dma_start3A_14 = tpu.memref_slice %arg2[%dma_start3A_12, %dma_start3A_13] : memref<100000x128xf32, #tpu.memory_space<hbm>> -> memref<100000x128xf32, #tpu.memory_space<hbm>>
    tpu.enqueue_indirect_dma source(%dma_start3A_14 : memref<100000x128xf32, #tpu.memory_space<hbm>>) target(%dma_start3A_8 : memref<128x128xf32, #tpu.memory_space<vmem>>) offsets(%dma_start3A_11 : memref<128xi32, #tpu.memory_space<vmem>>) semaphore(%arg7 : memref<!tpu.dma_semaphore, #tpu.memory_space<semaphore_mem>>)
    %dma_start3A_15 = arith.constant 1 : i32
    %dma_start3A_16 = arith.constant 0 : i32
    %dma_start3A_17 = arith.constant 1 : i32
    %dma_start3A_18 = arith.constant 0 : i32
    %dma_start3A_19 = arith.constant 0 : i32
    %dma_start3A_20 = tpu.memref_slice %arg6[%dma_start3A_16, %dma_start3A_17, %dma_start3A_18, %dma_start3A_19] : memref<2x2x128x128xf32, #tpu.memory_space<vmem>> -> memref<1x1x128x128xf32, #tpu.memory_space<vmem>>
    %dma_start3A_21 = tpu.memref_squeeze %dma_start3A_20 : memref<1x1x128x128xf32, #tpu.memory_space<vmem>> -> memref<128x128xf32, #tpu.memory_space<vmem>>
    %dma_start3A_22 = arith.constant 0 : i32
    %dma_start3A_23 = tpu.memref_slice %arg5[%dma_start3A_15, %dma_start3A_22] : memref<80x128xi32, #tpu.memory_space<vmem>> -> memref<1x128xi32, #tpu.memory_space<vmem>>
    %dma_start3A_24 = tpu.memref_squeeze %dma_start3A_23 : memref<1x128xi32, #tpu.memory_space<vmem>> -> memref<128xi32, #tpu.memory_space<vmem>>
    %dma_start3A_25 = arith.constant 0 : i32
    %dma_start3A_26 = arith.constant 0 : i32
    %dma_start3A_27 = tpu.memref_slice %arg2[%dma_start3A_25, %dma_start3A_26] : memref<100000x128xf32, #tpu.memory_space<hbm>> -> memref<100000x128xf32, #tpu.memory_space<hbm>>
    tpu.enqueue_indirect_dma source(%dma_start3A_27 : memref<100000x128xf32, #tpu.memory_space<hbm>>) target(%dma_start3A_21 : memref<128x128xf32, #tpu.memory_space<vmem>>) offsets(%dma_start3A_24 : memref<128xi32, #tpu.memory_space<vmem>>) semaphore(%arg7 : memref<!tpu.dma_semaphore, #tpu.memory_space<semaphore_mem>>)
    %scan3A = arith.constant 0 : i32
    %scan3A_28 = arith.constant 0 : i32
    %scan3A_29 = arith.constant 40 : i32
    %scan3A_30 = arith.addi %scan3A_28, %scan3A_29 : i32
    %scan3A_31 = arith.constant 1 : i32
    %scan3A_32 = scf.for %scan3A_61 = %scan3A_28 to %scan3A_30 step %scan3A_31 iter_args(%scan3A_62 = %scan3A) -> (i32)  : i32 {
      %rem3A = arith.constant 2 : i32
      %rem3A_63 = arith.remsi %scan3A_61, %rem3A : i32
      %sub3A = arith.constant 1 : i32
      %sub3A_64 = arith.subi %sub3A, %rem3A_63 : i32
      %dma_wait3A_65 = arith.constant 0 : i32
      %dma_wait3A_66 = arith.constant 0 : i32
      %dma_wait3A_67 = arith.constant 0 : i32
      %dma_wait3A_68 = arith.constant 0 : i32
      %dma_wait3A_69 = tpu.memref_slice %arg6[%rem3A_63, %dma_wait3A_66, %dma_wait3A_67, %dma_wait3A_68] : memref<2x2x128x128xf32, #tpu.memory_space<vmem>> -> memref<1x1x128x128xf32, #tpu.memory_space<vmem>>
      %dma_wait3A_70 = tpu.memref_squeeze %dma_wait3A_69 : memref<1x1x128x128xf32, #tpu.memory_space<vmem>> -> memref<128x128xf32, #tpu.memory_space<vmem>>
      %dma_wait3A_71 = arith.constant 0 : i32
      %dma_wait3A_72 = tpu.memref_slice %arg5[%dma_wait3A_65, %dma_wait3A_71] : memref<80x128xi32, #tpu.memory_space<vmem>> -> memref<1x128xi32, #tpu.memory_space<vmem>>
      %dma_wait3A_73 = tpu.memref_squeeze %dma_wait3A_72 : memref<1x128xi32, #tpu.memory_space<vmem>> -> memref<128xi32, #tpu.memory_space<vmem>>
      %dma_wait3A_74 = arith.constant 0 : i32
      %dma_wait3A_75 = arith.constant 0 : i32
      %dma_wait3A_76 = tpu.memref_slice %arg2[%dma_wait3A_74, %dma_wait3A_75] : memref<100000x128xf32, #tpu.memory_space<hbm>> -> memref<100000x128xf32, #tpu.memory_space<hbm>>
      tpu.wait_indirect_dma semaphore(%arg7 : memref<!tpu.dma_semaphore, #tpu.memory_space<semaphore_mem>>) src(%dma_wait3A_76 : memref<100000x128xf32, #tpu.memory_space<hbm>>) dst(%dma_wait3A_70 : memref<128x128xf32, #tpu.memory_space<vmem>>)
      %dma_wait3A_77 = arith.constant 0 : i32
      %dma_wait3A_78 = arith.constant 1 : i32
      %dma_wait3A_79 = arith.constant 0 : i32
      %dma_wait3A_80 = arith.constant 0 : i32
      %dma_wait3A_81 = tpu.memref_slice %arg6[%rem3A_63, %dma_wait3A_78, %dma_wait3A_79, %dma_wait3A_80] : memref<2x2x128x128xf32, #tpu.memory_space<vmem>> -> memref<1x1x128x128xf32, #tpu.memory_space<vmem>>
      %dma_wait3A_82 = tpu.memref_squeeze %dma_wait3A_81 : memref<1x1x128x128xf32, #tpu.memory_space<vmem>> -> memref<128x128xf32, #tpu.memory_space<vmem>>
      %dma_wait3A_83 = arith.constant 0 : i32
      %dma_wait3A_84 = tpu.memref_slice %arg5[%dma_wait3A_77, %dma_wait3A_83] : memref<80x128xi32, #tpu.memory_space<vmem>> -> memref<1x128xi32, #tpu.memory_space<vmem>>
      %dma_wait3A_85 = tpu.memref_squeeze %dma_wait3A_84 : memref<1x128xi32, #tpu.memory_space<vmem>> -> memref<128xi32, #tpu.memory_space<vmem>>
      %dma_wait3A_86 = arith.constant 0 : i32
      %dma_wait3A_87 = arith.constant 0 : i32
      %dma_wait3A_88 = tpu.memref_slice %arg2[%dma_wait3A_86, %dma_wait3A_87] : memref<100000x128xf32, #tpu.memory_space<hbm>> -> memref<100000x128xf32, #tpu.memory_space<hbm>>
      tpu.wait_indirect_dma semaphore(%arg7 : memref<!tpu.dma_semaphore, #tpu.memory_space<semaphore_mem>>) src(%dma_wait3A_88 : memref<100000x128xf32, #tpu.memory_space<hbm>>) dst(%dma_wait3A_82 : memref<128x128xf32, #tpu.memory_space<vmem>>)
      %gt3A = arith.constant 0 : i32
      %gt3A_89 = arith.cmpi sgt, %scan3A_61, %gt3A : i32
      %convert_element_type3A = arith.extui %gt3A_89 : i1 to i32
      %cond3A = arith.constant 0 : i32
      %cond3A_90 = arith.cmpi ne, %convert_element_type3A, %cond3A : i32
      scf.if %cond3A_90 {
        %dma_wait3A_138 = arith.constant 0 : i32
        %dma_wait3A_139 = arith.constant 0 : i32
        %dma_wait3A_140 = arith.constant 0 : i32
        %dma_wait3A_141 = tpu.memref_slice %arg6[%sub3A_64, %dma_wait3A_138, %dma_wait3A_139, %dma_wait3A_140] : memref<2x2x128x128xf32, #tpu.memory_space<vmem>> -> memref<1x1x128x128xf32, #tpu.memory_space<vmem>>
        %dma_wait3A_142 = tpu.memref_squeeze %dma_wait3A_141 : memref<1x1x128x128xf32, #tpu.memory_space<vmem>> -> memref<128x128xf32, #tpu.memory_space<vmem>>
        %dma_wait3A_143 = arith.constant 0 : i32
        %dma_wait3A_144 = tpu.memref_slice %arg4[%mul3A_2, %dma_wait3A_143] : memref<327680x128xf32, #tpu.memory_space<hbm>> -> memref<128x128xf32, #tpu.memory_space<hbm>>
        %dma_wait3A_145 = arith.constant 0 : i32
        %dma_wait3A_146 = tpu.memref_slice %arg4[%mul3A_2, %dma_wait3A_145] : memref<327680x128xf32, #tpu.memory_space<hbm>> -> memref<128x128xf32, #tpu.memory_space<hbm>>
        %dma_wait3A_147 = arith.constant 0 : i32
        %dma_wait3A_148 = arith.constant 0 : i32
        %dma_wait3A_149 = tpu.memref_slice %arg6[%sub3A_64, %dma_wait3A_138, %dma_wait3A_147, %dma_wait3A_148] : memref<2x2x128x128xf32, #tpu.memory_space<vmem>> -> memref<1x1x128x128xf32, #tpu.memory_space<vmem>>
        %dma_wait3A_150 = tpu.memref_squeeze %dma_wait3A_149 : memref<1x1x128x128xf32, #tpu.memory_space<vmem>> -> memref<128x128xf32, #tpu.memory_space<vmem>>
        tpu.wait_dma2 semaphore(%arg8 : memref<!tpu.dma_semaphore, #tpu.memory_space<semaphore_mem>>) src(%dma_wait3A_150 : memref<128x128xf32, #tpu.memory_space<vmem>>) dst(%dma_wait3A_146 : memref<128x128xf32, #tpu.memory_space<hbm>>)
        %dma_wait3A_151 = arith.constant 1 : i32
        %dma_wait3A_152 = arith.constant 0 : i32
        %dma_wait3A_153 = arith.constant 0 : i32
        %dma_wait3A_154 = tpu.memref_slice %arg6[%sub3A_64, %dma_wait3A_151, %dma_wait3A_152, %dma_wait3A_153] : memref<2x2x128x128xf32, #tpu.memory_space<vmem>> -> memref<1x1x128x128xf32, #tpu.memory_space<vmem>>
        %dma_wait3A_155 = tpu.memref_squeeze %dma_wait3A_154 : memref<1x1x128x128xf32, #tpu.memory_space<vmem>> -> memref<128x128xf32, #tpu.memory_space<vmem>>
        %dma_wait3A_156 = arith.constant 0 : i32
        %dma_wait3A_157 = tpu.memref_slice %arg4[%mul3A_2, %dma_wait3A_156] : memref<327680x128xf32, #tpu.memory_space<hbm>> -> memref<128x128xf32, #tpu.memory_space<hbm>>
        %dma_wait3A_158 = arith.constant 0 : i32
        %dma_wait3A_159 = tpu.memref_slice %arg4[%mul3A_2, %dma_wait3A_158] : memref<327680x128xf32, #tpu.memory_space<hbm>> -> memref<128x128xf32, #tpu.memory_space<hbm>>
        %dma_wait3A_160 = arith.constant 0 : i32
        %dma_wait3A_161 = arith.constant 0 : i32
        %dma_wait3A_162 = tpu.memref_slice %arg6[%sub3A_64, %dma_wait3A_151, %dma_wait3A_160, %dma_wait3A_161] : memref<2x2x128x128xf32, #tpu.memory_space<vmem>> -> memref<1x1x128x128xf32, #tpu.memory_space<vmem>>
        %dma_wait3A_163 = tpu.memref_squeeze %dma_wait3A_162 : memref<1x1x128x128xf32, #tpu.memory_space<vmem>> -> memref<128x128xf32, #tpu.memory_space<vmem>>
        tpu.wait_dma2 semaphore(%arg8 : memref<!tpu.dma_semaphore, #tpu.memory_space<semaphore_mem>>) src(%dma_wait3A_163 : memref<128x128xf32, #tpu.memory_space<vmem>>) dst(%dma_wait3A_159 : memref<128x128xf32, #tpu.memory_space<hbm>>)
      } else {
      }
      %add3A_91 = arith.constant 1 : i32
      %add3A_92 = arith.addi %scan3A_61, %add3A_91 : i32
      %lt3A = arith.constant 40 : i32
      %lt3A_93 = arith.cmpi slt, %add3A_92, %lt3A : i32
      %convert_element_type3A_94 = arith.extui %lt3A_93 : i1 to i32
      %cond3A_95 = arith.constant 0 : i32
      %cond3A_96 = arith.cmpi ne, %convert_element_type3A_94, %cond3A_95 : i32
      scf.if %cond3A_96 {
        %add3A_138 = arith.constant 1 : i32
        %add3A_139 = arith.addi %scan3A_61, %add3A_138 : i32
        %mul3A_140 = arith.constant 2 : i32
        %mul3A_141 = arith.muli %add3A_139, %mul3A_140 : i32
        %add3A_142 = arith.constant 0 : i32
        %add3A_143 = arith.addi %mul3A_141, %add3A_142 : i32
        %dma_start3A_144 = arith.constant 0 : i32
        %dma_start3A_145 = arith.constant 0 : i32
        %dma_start3A_146 = arith.constant 0 : i32
        %dma_start3A_147 = tpu.memref_slice %arg6[%sub3A_64, %dma_start3A_144, %dma_start3A_145, %dma_start3A_146] : memref<2x2x128x128xf32, #tpu.memory_space<vmem>> -> memref<1x1x128x128xf32, #tpu.memory_space<vmem>>
        %dma_start3A_148 = tpu.memref_squeeze %dma_start3A_147 : memref<1x1x128x128xf32, #tpu.memory_space<vmem>> -> memref<128x128xf32, #tpu.memory_space<vmem>>
        %dma_start3A_149 = arith.constant 0 : i32
        %dma_start3A_150 = tpu.memref_slice %arg5[%add3A_143, %dma_start3A_149] : memref<80x128xi32, #tpu.memory_space<vmem>> -> memref<1x128xi32, #tpu.memory_space<vmem>>
        %dma_start3A_151 = tpu.memref_squeeze %dma_start3A_150 : memref<1x128xi32, #tpu.memory_space<vmem>> -> memref<128xi32, #tpu.memory_space<vmem>>
        %dma_start3A_152 = arith.constant 0 : i32
        %dma_start3A_153 = arith.constant 0 : i32
        %dma_start3A_154 = tpu.memref_slice %arg2[%dma_start3A_152, %dma_start3A_153] : memref<100000x128xf32, #tpu.memory_space<hbm>> -> memref<100000x128xf32, #tpu.memory_space<hbm>>
        tpu.enqueue_indirect_dma source(%dma_start3A_154 : memref<100000x128xf32, #tpu.memory_space<hbm>>) target(%dma_start3A_148 : memref<128x128xf32, #tpu.memory_space<vmem>>) offsets(%dma_start3A_151 : memref<128xi32, #tpu.memory_space<vmem>>) semaphore(%arg7 : memref<!tpu.dma_semaphore, #tpu.memory_space<semaphore_mem>>)
        %add3A_155 = arith.constant 1 : i32
        %add3A_156 = arith.addi %scan3A_61, %add3A_155 : i32
        %mul3A_157 = arith.constant 2 : i32
        %mul3A_158 = arith.muli %add3A_156, %mul3A_157 : i32
        %add3A_159 = arith.constant 1 : i32
        %add3A_160 = arith.addi %mul3A_158, %add3A_159 : i32
        %dma_start3A_161 = arith.constant 1 : i32
        %dma_start3A_162 = arith.constant 0 : i32
        %dma_start3A_163 = arith.constant 0 : i32
        %dma_start3A_164 = tpu.memref_slice %arg6[%sub3A_64, %dma_start3A_161, %dma_start3A_162, %dma_start3A_163] : memref<2x2x128x128xf32, #tpu.memory_space<vmem>> -> memref<1x1x128x128xf32, #tpu.memory_space<vmem>>
        %dma_start3A_165 = tpu.memref_squeeze %dma_start3A_164 : memref<1x1x128x128xf32, #tpu.memory_space<vmem>> -> memref<128x128xf32, #tpu.memory_space<vmem>>
        %dma_start3A_166 = arith.constant 0 : i32
        %dma_start3A_167 = tpu.memref_slice %arg5[%add3A_160, %dma_start3A_166] : memref<80x128xi32, #tpu.memory_space<vmem>> -> memref<1x128xi32, #tpu.memory_space<vmem>>
        %dma_start3A_168 = tpu.memref_squeeze %dma_start3A_167 : memref<1x128xi32, #tpu.memory_space<vmem>> -> memref<128xi32, #tpu.memory_space<vmem>>
        %dma_start3A_169 = arith.constant 0 : i32
        %dma_start3A_170 = arith.constant 0 : i32
        %dma_start3A_171 = tpu.memref_slice %arg2[%dma_start3A_169, %dma_start3A_170] : memref<100000x128xf32, #tpu.memory_space<hbm>> -> memref<100000x128xf32, #tpu.memory_space<hbm>>
        tpu.enqueue_indirect_dma source(%dma_start3A_171 : memref<100000x128xf32, #tpu.memory_space<hbm>>) target(%dma_start3A_165 : memref<128x128xf32, #tpu.memory_space<vmem>>) offsets(%dma_start3A_168 : memref<128xi32, #tpu.memory_space<vmem>>) semaphore(%arg7 : memref<!tpu.dma_semaphore, #tpu.memory_space<semaphore_mem>>)
      } else {
      }
      %mul3A_97 = arith.constant 2 : i32
      %mul3A_98 = arith.muli %scan3A_61, %mul3A_97 : i32
      %add3A_99 = arith.constant 0 : i32
      %add3A_100 = arith.addi %mul3A_98, %add3A_99 : i32
      %mul3A_101 = arith.constant 128 : i32
      %mul3A_102 = arith.muli %add3A_100, %mul3A_101 : i32
      %add3A_103 = arith.addi %mul3A_2, %mul3A_102 : i32
      %dma_start3A_104 = arith.constant 0 : i32
      %dma_start3A_105 = arith.constant 0 : i32
      %dma_start3A_106 = arith.constant 0 : i32
      %dma_start3A_107 = tpu.memref_slice %arg6[%rem3A_63, %dma_start3A_104, %dma_start3A_105, %dma_start3A_106] : memref<2x2x128x128xf32, #tpu.memory_space<vmem>> -> memref<1x1x128x128xf32, #tpu.memory_space<vmem>>
      %dma_start3A_108 = tpu.memref_squeeze %dma_start3A_107 : memref<1x1x128x128xf32, #tpu.memory_space<vmem>> -> memref<128x128xf32, #tpu.memory_space<vmem>>
      %dma_start3A_109 = arith.constant 0 : i32
      %dma_start3A_110 = tpu.memref_slice %arg4[%add3A_103, %dma_start3A_109] : memref<327680x128xf32, #tpu.memory_space<hbm>> -> memref<128x128xf32, #tpu.memory_space<hbm>>
      %dma_start3A_111 = arith.constant 0 : i32
      %dma_start3A_112 = tpu.memref_slice %arg4[%add3A_103, %dma_start3A_111] : memref<327680x128xf32, #tpu.memory_space<hbm>> -> memref<128x128xf32, #tpu.memory_space<hbm>>
      %dma_start3A_113 = arith.constant 0 : i32
      %dma_start3A_114 = arith.constant 0 : i32
      %dma_start3A_115 = tpu.memref_slice %arg6[%rem3A_63, %dma_start3A_104, %dma_start3A_113, %dma_start3A_114] : memref<2x2x128x128xf32, #tpu.memory_space<vmem>> -> memref<1x1x128x128xf32, #tpu.memory_space<vmem>>
      %dma_start3A_116 = tpu.memref_squeeze %dma_start3A_115 : memref<1x1x128x128xf32, #tpu.memory_space<vmem>> -> memref<128x128xf32, #tpu.memory_space<vmem>>
      tpu.enqueue_dma source(%dma_start3A_116 : memref<128x128xf32, #tpu.memory_space<vmem>>) target(%dma_start3A_112 : memref<128x128xf32, #tpu.memory_space<hbm>>) target_semaphore(%arg8 : memref<!tpu.dma_semaphore, #tpu.memory_space<semaphore_mem>>)
      %mul3A_117 = arith.constant 2 : i32
      %mul3A_118 = arith.muli %scan3A_61, %mul3A_117 : i32
      %add3A_119 = arith.constant 1 : i32
      %add3A_120 = arith.addi %mul3A_118, %add3A_119 : i32
      %mul3A_121 = arith.constant 128 : i32
      %mul3A_122 = arith.muli %add3A_120, %mul3A_121 : i32
      %add3A_123 = arith.addi %mul3A_2, %mul3A_122 : i32
      %dma_start3A_124 = arith.constant 1 : i32
      %dma_start3A_125 = arith.constant 0 : i32
      %dma_start3A_126 = arith.constant 0 : i32
      %dma_start3A_127 = tpu.memref_slice %arg6[%rem3A_63, %dma_start3A_124, %dma_start3A_125, %dma_start3A_126] : memref<2x2x128x128xf32, #tpu.memory_space<vmem>> -> memref<1x1x128x128xf32, #tpu.memory_space<vmem>>
      %dma_start3A_128 = tpu.memref_squeeze %dma_start3A_127 : memref<1x1x128x128xf32, #tpu.memory_space<vmem>> -> memref<128x128xf32, #tpu.memory_space<vmem>>
      %dma_start3A_129 = arith.constant 0 : i32
      %dma_start3A_130 = tpu.memref_slice %arg4[%add3A_123, %dma_start3A_129] : memref<327680x128xf32, #tpu.memory_space<hbm>> -> memref<128x128xf32, #tpu.memory_space<hbm>>
      %dma_start3A_131 = arith.constant 0 : i32
      %dma_start3A_132 = tpu.memref_slice %arg4[%add3A_123, %dma_start3A_131] : memref<327680x128xf32, #tpu.memory_space<hbm>> -> memref<128x128xf32, #tpu.memory_space<hbm>>
      %dma_start3A_133 = arith.constant 0 : i32
      %dma_start3A_134 = arith.constant 0 : i32
      %dma_start3A_135 = tpu.memref_slice %arg6[%rem3A_63, %dma_start3A_124, %dma_start3A_133, %dma_start3A_134] : memref<2x2x128x128xf32, #tpu.memory_space<vmem>> -> memref<1x1x128x128xf32, #tpu.memory_space<vmem>>
      %dma_start3A_136 = tpu.memref_squeeze %dma_start3A_135 : memref<1x1x128x128xf32, #tpu.memory_space<vmem>> -> memref<128x128xf32, #tpu.memory_space<vmem>>
      tpu.enqueue_dma source(%dma_start3A_136 : memref<128x128xf32, #tpu.memory_space<vmem>>) target(%dma_start3A_132 : memref<128x128xf32, #tpu.memory_space<hbm>>) target_semaphore(%arg8 : memref<!tpu.dma_semaphore, #tpu.memory_space<semaphore_mem>>)
      %scan3A_137 = arith.constant 0 : i32
      scf.yield %scan3A_137 : i32
    }
    %scan3A_33 = arith.constant 40 : i32
    %dma_wait3A = arith.constant 0 : i32
    %dma_wait3A_34 = arith.constant 0 : i32
    %dma_wait3A_35 = arith.constant 0 : i32
    %dma_wait3A_36 = arith.constant 0 : i32
    %dma_wait3A_37 = tpu.memref_slice %arg6[%dma_wait3A, %dma_wait3A_34, %dma_wait3A_35, %dma_wait3A_36] : memref<2x2x128x128xf32, #tpu.memory_space<vmem>> -> memref<1x1x128x128xf32, #tpu.memory_space<vmem>>
    %dma_wait3A_38 = tpu.memref_squeeze %dma_wait3A_37 : memref<1x1x128x128xf32, #tpu.memory_space<vmem>> -> memref<128x128xf32, #tpu.memory_space<vmem>>
    %dma_wait3A_39 = arith.constant 0 : i32
    %dma_wait3A_40 = tpu.memref_slice %arg4[%mul3A_2, %dma_wait3A_39] : memref<327680x128xf32, #tpu.memory_space<hbm>> -> memref<128x128xf32, #tpu.memory_space<hbm>>
    %dma_wait3A_41 = arith.constant 0 : i32
    %dma_wait3A_42 = tpu.memref_slice %arg4[%mul3A_2, %dma_wait3A_41] : memref<327680x128xf32, #tpu.memory_space<hbm>> -> memref<128x128xf32, #tpu.memory_space<hbm>>
    %dma_wait3A_43 = arith.constant 0 : i32
    %dma_wait3A_44 = arith.constant 0 : i32
    %dma_wait3A_45 = tpu.memref_slice %arg6[%dma_wait3A, %dma_wait3A_34, %dma_wait3A_43, %dma_wait3A_44] : memref<2x2x128x128xf32, #tpu.memory_space<vmem>> -> memref<1x1x128x128xf32, #tpu.memory_space<vmem>>
    %dma_wait3A_46 = tpu.memref_squeeze %dma_wait3A_45 : memref<1x1x128x128xf32, #tpu.memory_space<vmem>> -> memref<128x128xf32, #tpu.memory_space<vmem>>
    tpu.wait_dma2 semaphore(%arg8 : memref<!tpu.dma_semaphore, #tpu.memory_space<semaphore_mem>>) src(%dma_wait3A_46 : memref<128x128xf32, #tpu.memory_space<vmem>>) dst(%dma_wait3A_42 : memref<128x128xf32, #tpu.memory_space<hbm>>)
    %dma_wait3A_47 = arith.constant 0 : i32
    %dma_wait3A_48 = arith.constant 1 : i32
    %dma_wait3A_49 = arith.constant 0 : i32
    %dma_wait3A_50 = arith.constant 0 : i32
    %dma_wait3A_51 = tpu.memref_slice %arg6[%dma_wait3A_47, %dma_wait3A_48, %dma_wait3A_49, %dma_wait3A_50] : memref<2x2x128x128xf32, #tpu.memory_space<vmem>> -> memref<1x1x128x128xf32, #tpu.memory_space<vmem>>
    %dma_wait3A_52 = tpu.memref_squeeze %dma_wait3A_51 : memref<1x1x128x128xf32, #tpu.memory_space<vmem>> -> memref<128x128xf32, #tpu.memory_space<vmem>>
    %dma_wait3A_53 = arith.constant 0 : i32
    %dma_wait3A_54 = tpu.memref_slice %arg4[%mul3A_2, %dma_wait3A_53] : memref<327680x128xf32, #tpu.memory_space<hbm>> -> memref<128x128xf32, #tpu.memory_space<hbm>>
    %dma_wait3A_55 = arith.constant 0 : i32
    %dma_wait3A_56 = tpu.memref_slice %arg4[%mul3A_2, %dma_wait3A_55] : memref<327680x128xf32, #tpu.memory_space<hbm>> -> memref<128x128xf32, #tpu.memory_space<hbm>>
    %dma_wait3A_57 = arith.constant 0 : i32
    %dma_wait3A_58 = arith.constant 0 : i32
    %dma_wait3A_59 = tpu.memref_slice %arg6[%dma_wait3A_47, %dma_wait3A_48, %dma_wait3A_57, %dma_wait3A_58] : memref<2x2x128x128xf32, #tpu.memory_space<vmem>> -> memref<1x1x128x128xf32, #tpu.memory_space<vmem>>
    %dma_wait3A_60 = tpu.memref_squeeze %dma_wait3A_59 : memref<1x1x128x128xf32, #tpu.memory_space<vmem>> -> memref<128x128xf32, #tpu.memory_space<vmem>>
    tpu.wait_dma2 semaphore(%arg8 : memref<!tpu.dma_semaphore, #tpu.memory_space<semaphore_mem>>) src(%dma_wait3A_60 : memref<128x128xf32, #tpu.memory_space<vmem>>) dst(%dma_wait3A_56 : memref<128x128xf32, #tpu.memory_space<hbm>>)
    return
  }
}

</mosaic_0001>

<sc_bundles>
// kernel: kernel.3.cloned.1.call-start
scs
__scs_entry_jumppad:
0x0: {  	(pc) =	sbr.rel $0x88, $3  }
0x1: {  	(tag) =	ssettag $0x0;
	lr =	simm.s32 $0x1  }
0x2: {  	[smem:$0x3F9F] =	sst lr;
	_ =	strace $0xD0000000  }
0x3: {  	_ = 	snop  }
0x4: {  	_ = 	snop  }
0x5: {  	_ = 	snop  }
0x6: {  	_ = 	snop  }
0x7: {  	_ = 	snop  }
__scs_overlays_trampoline_lowered:
0x8: {  	[smem:$0x3FAE] =	sst s0  }
0x9: {  	[smem:$0x3FAF] =	sst s1  }
0xa: {  	[smem:$0x3FB0] =	sst s2  }
0xb: {  	[smem:$0x3FB1] =	sst s3  }
0xc: {  	[smem:$0x3FB2] =	sst s4  }
0xd: {  	[smem:$0x3FB3] =	sst s5  }
0xe: {  	[smem:$0x3FB4] =	sst s6  }
0xf: {  	[smem:$0x3FB5] =	sst s7  }
0x10: {  	[smem:$0x3FB6] =	sst s8  }
0x11: {  	[smem:$0x3FB7] =	sst s9;
	s0 =	simm.s32 @!p0 $0x0  }
0x12: {  	s1 =	sld [smem:$0x3F9D];
	s0 =	simm.s32 @p0 $0x1  }
0x13: {  	[smem:$0x3FB8] =	sst s0;
	s0 =	simm.s32 @!p1 $0x0  }
0x14: {  	s2 =	sld [smem:$0x3F9C];
	s0 =	simm.s32 @p1 $0x1  }
0x15: {  	[smem:$0x3FB9] =	sst s0;
	s0 =	simm.s32 @!p2 $0x0  }
0x16: {  	s3 =	sld [smem:$0x3FDB];
	s0 =	simm.s32 @p2 $0x1  }
0x17: {  	s4 =	simm.s32 $0x1BF5;
	[smem:$0x3FBB] =	sst s0  }
0x18: {  	s0 =	sld [smem:$0x3F9E];
	_ =	swait.ge [sflag:s4], $0x0  }
0x19: {  	s7 =	sld [smem:$0x3F9F]  }
0x1a: {  	s8 =	sadd.s32 $0xFFFFE003, lr  }
0x1b: {  	s9 =	sadd.s32 $0xFFFFFEF7, lr;
	s5 =	simm.s32 $0xFFFFFFFF;
	p2 =	slt.u32 s8, $0xFFFFF086  }
0x1c: {  	p1 =	slt.u32 s9, $0xF7A;
	s5 =	simm.s32 @!p2 $0x0  }
0x1d: {  	s5 =	simm.s32 @p1 $0x1;
	p0 =	seq.s32 s7, s2  }
0x1e: {  	s7 =	smul.u32 @!p0 $0xF7A, s2;
	p2 =	seq.s32 @!p0 s5, $0x0  }
0x1f: {  	s9 =	smul.u32 $0xF7A, s1;
	s8 =	simm.s32 @!p0 $0x1BF5;
	p2 =	por !p2, p0  }
0x20: {  	[sflag:s8] =	ssyncset.s32 @!p0 $0xFFFFF086;
	s6 =	sadd.s32 @!p0 s3, s7;
	s7 =	simm.s32 @!p0 $0x108  }
0x21: {  	s3 =	sadd.s32 s3, s9;
	s6 =	sadd.s32 @!p0 $0x88, s6;
	s7 =	simm.s32 @p2 $0x1082  }
0x22: {  	[simem:s7], [sflag:s8] =	dma.local @!p0 [hbm:s6], $0xF7A  }
0x23: {  	s9 =	sor.u32 $0xD0000000, s2;
	s6 =	simm.s32 $0x108;
	_ =	swait.ge @!p0 [sflag:s8], $0x0  }
0x24: {  	s3 =	sadd.s32 $0x88, s3;
	s6 =	simm.s32 @!p1 $0x1082;
	[sflag:s4] =	ssyncset.s32 $0xFFFFF086  }
0x25: {  	[simem:s6], [sflag:s4] =	dma.local [hbm:s3], $0xF7A  }
0x26: {  	[smem:$0x3F9F] =	sst s1;
	(tag) =	ssettag s2;
	_ =	strace s9  }
0x27: {  	s1 =	sld [smem:$0x3FAF]  }
0x28: {  	s2 =	sld [smem:$0x3FB0]  }
0x29: {  	s4 =	sld [smem:$0x3FB2]  }
0x2a: {  	p0 =	seq.s32 s5, $0x0;
	s5 =	sld [smem:$0x3FB3]  }
0x2b: {  	s6 =	sld [smem:$0x3FB4]  }
0x2c: {  	s7 =	sld [smem:$0x3FB5]  }
0x2d: {  	s3 =	simm.s32 $0x108;
	s8 =	sld [smem:$0x3FB6]  }
0x2e: {  	s3 =	simm.s32 @!p0 $0x1082;
	s9 =	sld [smem:$0x3FB7]  }
0x2f: {  	lr =	sadd.s32 s0, s3;
	s0 =	sld [smem:$0x3FAE]  }
0x30: {  	s3 =	sld [smem:$0x3FB1]  }
0x31: {  	[smem:$0x3FBA] =	sst s10  }
0x32: {  	s10 =	sld [smem:$0x3FB8];
	_ =	sdelay $0x3  }
0x33: {  	p0 =	seq.s32 s10, $0x1;
	s10 =	sld [smem:$0x3FBA];
	_ =	sdelay $0x3  }
0x34: {  	[smem:$0x3FBA] =	sst s10  }
0x35: {  	s10 =	sld [smem:$0x3FB9];
	_ =	sdelay $0x3  }
0x36: {  	p1 =	seq.s32 s10, $0x1;
	s10 =	sld [smem:$0x3FBA];
	_ =	sdelay $0x3  }
0x37: {  	[smem:$0x3FBA] =	sst s10  }
0x38: {  	s10 =	sld [smem:$0x3FBB]  }
0x39: {  	_ = 	snop;
	(pc) =	sbr.ind lr, $3  }
0x3a: {  	_ = 	snop  }
0x3b: {  	_ = 	snop  }
0x3c: {  	p2 =	seq.s32 s10, $0x1;
	s10 =	sld [smem:$0x3FBA]  }
0x3d: {  	_ =	shalt  }
0x3e: {  	_ =	shalt  }
0x3f: {  	_ =	shalt  }
0x40: {  	_ =	shalt  }
0x41: {  	_ =	shalt  }
0x42: {  	_ =	shalt  }
0x43: {  	_ =	shalt  }
0x44: {  	_ =	shalt  }
0x45: {  	_ =	shalt  }
0x46: {  	_ =	shalt  }
0x47: {  	_ =	shalt  }
0x48: {  	_ =	shalt  }
0x49: {  	_ =	shalt  }
0x4a: {  	_ =	shalt  }
0x4b: {  	_ =	shalt  }
0x4c: {  	_ =	shalt  }
0x4d: {  	_ =	shalt  }
0x4e: {  	_ =	shalt  }
0x4f: {  	_ =	shalt  }
0x50: {  	_ =	shalt  }
0x51: {  	_ =	shalt  }
0x52: {  	_ =	shalt  }
0x53: {  	_ =	shalt  }
0x54: {  	_ =	shalt  }
0x55: {  	_ =	shalt  }
0x56: {  	_ =	shalt  }
0x57: {  	_ =	shalt  }
0x58: {  	_ =	shalt  }
0x59: {  	_ =	shalt  }
0x5a: {  	_ =	shalt  }
0x5b: {  	_ =	shalt  }
0x5c: {  	_ =	shalt  }
0x5d: {  	_ =	shalt  }
0x5e: {  	_ =	shalt  }
0x5f: {  	_ =	shalt  }
0x60: {  	_ =	shalt  }
0x61: {  	_ =	shalt  }
0x62: {  	_ =	shalt  }
0x63: {  	_ =	shalt  }
0x64: {  	_ =	shalt  }
0x65: {  	_ =	shalt  }
0x66: {  	_ =	shalt  }
0x67: {  	_ =	shalt  }
0x68: {  	_ =	shalt  }
0x69: {  	_ =	shalt  }
0x6a: {  	_ =	shalt  }
0x6b: {  	_ =	shalt  }
0x6c: {  	_ =	shalt  }
0x6d: {  	_ =	shalt  }
0x6e: {  	_ =	shalt  }
0x6f: {  	_ =	shalt  }
0x70: {  	_ =	shalt  }
0x71: {  	_ =	shalt  }
0x72: {  	_ =	shalt  }
0x73: {  	_ =	shalt  }
0x74: {  	_ =	shalt  }
0x75: {  	_ =	shalt  }
0x76: {  	_ =	shalt  }
0x77: {  	_ =	shalt  }
0x78: {  	_ =	shalt  }
0x79: {  	_ =	shalt  }
0x7a: {  	_ =	shalt  }
0x7b: {  	_ =	shalt  }
0x7c: {  	_ =	shalt  }
0x7d: {  	_ =	shalt  }
0x7e: {  	_ =	shalt  }
0x7f: {  	_ =	shalt  }
0x80: {  	_ =	shalt  }
0x81: {  	_ =	shalt  }
0x82: {  	_ =	shalt  }
0x83: {  	_ =	shalt  }
0x84: {  	_ =	shalt  }
0x85: {  	_ =	shalt  }
0x86: {  	_ =	shalt  }
0x87: {  	_ =	shalt  }
.Lfunc_end0:
.L_simem_size_0:
called_computation_lowered:
.L_overlay_start_0:
0x88: {  	s2 =	sld [smem:$0x3FD9]  }
0x89: {  	s3 =	sld [smem:$0x3FFE];
	_ =	sdelay $0x1  }
0x8a: {  	s1 =	srdreg.scid  }
0x8b: {  	s0 =	sand.u32 $0x1, s1  }
0x8c: {  	s17 =	sshll.u32 s0, $0xA;
	s2 =	sadd.s32 s3, s2  }
0x8d: {  	s2 =	sadd.s32 s2, s17  }
0x8e: {  	[smem:$0x3FC6] =	sst s2  }
0x8f: {  	_ = 	snop  }
0x90: {  	s2 =	sld [smem:$0x3FC9]  }
0x91: {  	s18 =	sld [smem:$0x3FD0];
	(tm) =	ssettm $0x1  }
0x92: {  	s4 =	sld [smem:$0x3FFB];
	_ =	sdelay $0x3  }
0x93: {  	_ =	strace s4  }
0x94: {  	s4 =	sld [smem:$0x3FFC];
	_ =	sdelay $0x3  }
0x95: {  	_ =	strace s4  }
0x96: {  	s4 =	sld [smem:$0x3FFD];
	_ =	sdelay $0x3  }
0x97: {  	_ =	strace s4  }
0x98: {  	_ =	strace $0x8FFFFFFF  }
0x99: {  	s19 =	sld [smem:$0x3FDB];
	_ =	sdelay $0x1  }
0x9a: {  	s5 =	simm.s32 $_scs_section_size  }
0x9b: {  	s6 =	simm.s32 $_size__tile_overlayer_lowered;
	s7 =	simm.s32 $_tile_overlayer_lowered  }
0x9c: {  	s22 =	simm.s32 $0x1BFF;
	s21 =	sshll.u32 s7, $0x1;
	s4 =	sadd.s32 s5, s19  }
0x9d: {  	s8 =	simm.s32 $0x0;
	s20 =	sshll.u32 s6, $0x1;
	s6 =	sadd.s32 s21, s4  }
0x9e: {  	[timem:s8], [sflag:s22] =	dma.local [hbm:s6], s20  }
0x9f: {  	_ =	swait.ge [sflag:s22], s20  }
0xa0: {  	s5 =	ssub.s32 $0x0, s20;
	[sflag:s22] =	ssyncset.done $0x0  }
0xa1: {  	[sflag:s22] =	ssyncadd.s32 s5;
	_ =	sdelay $0x1  }
0xa2: {  	s23 =	simm.s32 $0x1B8B  }
0xa3: {  	_ =	swait.ge [sflag:s23], $0x1  }
0xa4: {  	[sflag:s23] =	ssyncset.done $0x0  }
0xa5: {  	s25 =	simm.s32 $0x1B8E;
	s24 =	sld [smem:$0x3FFE];
	[sflag:s23] =	ssyncadd.s32 $0xFFFFFFFF  }
0xa6: {  	s26 =	simm.s32 $execute0_lowered;
	[smem:$0x3FD2] =	sst s25  }
0xa7: {  	s6 =	sshll.u32 s26, $0x1;
	_ =	strace $0x80000046;
	[dreg:$0x1] =	wrdreg $0xFFFFFFFF  }
0xa8: {  	s28 =	simm.s32 $_size_execute0_lowered;
	s4 =	sadd.s32 s4, s6;
	[dreg:$0x0] =	wrdreg $0x0  }
0xa9: {  	s6 =	sshll.u32 s28, $0x1;
	[dreg:$0x2] =	wrdreg s4  }
0xaa: {  	[dreg:$0x3] =	wrdreg s6  }
0xab: {  	[dreg:$0x4] =	wrdreg $0xC0  }
0xac: {  	_ =	task [dreg:s8], $0x5FFFF  }
0xad: {  	[dreg:$0x1] =	wrdreg $0xFFFFFFFF  }
0xae: {  	[dreg:$0x0] =	wrdreg $0x60  }
0xaf: {  	[dreg:$0x2] =	wrdreg s2  }
0xb0: {  	[dreg:$0x3] =	wrdreg s24  }
0xb1: {  	[dreg:$0x4] =	wrdreg s18  }
0xb2: {  	[dreg:$0x5] =	wrdreg $0x9  }
0xb3: {  	_ =	task.clear_ibuf [dreg:s8], $0x6FFFF;
	_ =	strace $0x90000046  }
0xb4: {  	s29 =	simm.s32 $0x9;
	_ =	strace $0x80000048  }
0xb5: {  	_ =	swait.ge [sflag:s29], $0x1  }
0xb6: {  	[sflag:s29] =	ssyncadd.s32 $0xFFFFFFFF  }
0xb7: {  	_ =	strace $0x90000048  }
0xb8: {  	_ =	sfence  }
0xb9: {  	s30 =	sld [smem:$0x0];
	_ =	sdelay $0x2  }
0xba: {  	s31 =	sshll.u32 s1, $0xD;
	s1 =	sshrl.u32 s1, $0x2  }
0xbb: {  	s3 =	sand.u32 $0x4000, s31;
	s1 =	sadd.s32 s1, s30  }
0xbc: {  	s0 =	sor.u32 s3, s0;
	s1 =	sshll.u32 s1, $0x11  }
0xbd: {  	s0 =	sor.u32 s1, s0  }
0xbe: {  	s0 =	sadd.s32 $0x8F2B, s0  }
0xbf: {  	[sflag:s0] =	ssyncadd.remote.s32 $0x1  }
0xc0: {  	_ =	sfence.sel $0xFFFF  }
0xc1: {  	[dreg:$0x0] =	wrdreg $0xFFFFFFFF;
	(pc) =	sbr.abs _section_cstart, $3  }
0xc2: {  	[dreg:$0x1] =	wrdreg $0xFFFFFFFF  }
0xc3: {  	_ =	task.clear_ibuf [dreg:s8], $0x2FFFF;
	_ =	strace $0x9FFFFFFF  }
0xc4: {  	(tm) =	ssettm $0x7FFFFFFF  }
0xc5: {  	_ =	shalt  }
tec
execute0_lowered:
.L_overlay_start_1:
0x0: {  	(tag) =	ssettag $0x1  }
0x1: {  	s1 =	rddreg [dreg:$0x0]  }
0x2: {  	s5 =	rddreg [dreg:$0x1]  }
0x3: {  	s2 =	srdreg.scid;
	s0 =	stileid.u32  }
0x4: {  	s3 =	rddreg [dreg:$0x2];
	s11 =	simm.s32 $0x2800;
	s12 =	simm.s32 $0x6800  }
0x5: {  	s13 =	simm.s32 $0x1;
	s6 =	sand.u32 $0x1, s2;
	s4 =	sshll.u32 s0, $0x1  }
0x6: {  	s14 =	simm.s32 $0x2;
	s15 =	simm.s32 $0x0;
	s7 =	sor.u32 s6, s4  }
0x7: {  	s2 =	rddreg [dreg:$0x3];
	s4 =	simm.s32 $0x0;
	s8 =	smul.u32 $0x500, s7  }
.Ltmp0:
0x8: {  	s6 =	ssub.s32 $0x2, s6;
	[smem:$0x7FF] =	sst s4;
	(pc) =	sbr.rel .LBB2_1-.Ltmp0, $4  }
0x9: {  	s9 =	sshrl.u32 s6, $0x1;
	s10 =	smul.u32 $0x28000, s7;
	_ =	strace $0x80000047  }
0xa: {  	s30 =	ssub.s32 s6, s9;
	s6 =	smul.u32 $0x140000, s7;
	s9 =	simm.s32 $0x3  }
0xb: {  	s5 =	sadd.s32 s8, s5;
	s31 =	sadd.s32 s10, s3;
	s7 =	smax.u32 s30, $0x1  }
0xc: {  	s10 =	simm.s32 $0x80;
	s5 =	sadd.s32 $0x400, s5;
	s8 =	sadd.s32 $0x800, s31  }
.LBB2_5:
0xd: {  	s15 =	sadd.s32 $0x1, s15  }
0xe: {  	_ =	swait.ge [sflag:s14], $0x4000;
	p0 =	sne.s32 s15, s7  }
.Ltmp1:
0xf: {  	[sflag:s14] =	ssyncset.done $0x0;
	(pc) =	sbr.rel @!p0 .LBB2_6-.Ltmp1, $4  }
0x10: {  	[sflag:s14] =	ssyncadd.s32 $0xFFFFC000  }
0x11: {  	_ =	swait.ge [sflag:s14], $0x4000  }
0x12: {  	[sflag:s14] =	ssyncset.done $0x0  }
0x13: {  	[sflag:s14] =	ssyncadd.s32 $0xFFFFC000  }
.LBB2_1:
0x14: {  	[tilespmem:s4], [sflag:$0x3] =	stream.linear.gather [hbm4b:s5+s4], $0x2800, $0x38;
	[tilespmem:$0x12800] =	vst v63  }
0x15: {  	_ =	swait.ge [sflag:s9], $0x2800  }
.Ltmp2:
0x16: {  	[sflag:s9] =	ssyncset.done $0x0;
	(pc) =	sbr.rel .LBB2_2-.Ltmp2, $4  }
0x17: {  	[sflag:s9] =	ssyncadd.s32 $0xFFFFD800  }
0x18: {  	[tilespmem:s11], [sflag:$0x1] =	stream.indirect.gather [hbm4b:s1+s10], $0x80, s4, s10, $0xb8;
	[tilespmem:$0x12800] =	vst v63  }
0x19: {  	s16 =	simm.s32 $0x0  }
0x1a: {  	[tilespmem:s12], [sflag:$0x1] =	stream.indirect.gather [hbm4b:s1+s10], $0x80, s10, s10, $0xb8;
	[tilespmem:$0x12800] =	vst v63  }
.LBB2_4:
0x1b: {  	s19 =	sadd.s32 s6, s19  }
0x1c: {  	s20 =	sor.u32 $0x2800, s18;
	p0 =	slt.u32 s17, $0x28;
	s19 =	sshrl.u32 s19, $0x3  }
.Ltmp3:
0x1d: {  	s16 =	sshll.u32 s16, $0xC;
	s19 =	sadd.s32 s3, s19;
	(pc) =	sbr.rel @!p0 .LBB2_5-.Ltmp3, $4  }
0x1e: {  	[hbm4b:s19+s4] =	stream.linear.scatter [tilespmem:s20], [sflag:$0x2], $0x4000, $0x38;
	[tilespmem:$0x12800] =	vst v63  }
0x1f: {  	s31 =	sor.u32 $0x6800, s18;
	s16 =	sadd.s32 s8, s16  }
0x20: {  	[hbm4b:s16+s4] =	stream.linear.scatter [tilespmem:s31], [sflag:$0x2], $0x4000, $0x38;
	[tilespmem:$0x12800] =	vst v63  }
0x21: {  	s16 =	smov.u32 s17  }
.LBB2_2:
0x22: {  	_ =	swait.ge [sflag:s13], $0x4000  }
0x23: {  	[sflag:s13] =	ssyncset.done $0x0  }
0x24: {  	[sflag:s13] =	ssyncadd.s32 $0xFFFFC000  }
0x25: {  	_ =	swait.ge [sflag:s13], $0x4000  }
0x26: {  	p0 =	seq.s32 s16, $0x0;
	[sflag:s13] =	ssyncset.done $0x0  }
0x27: {  	s17 =	simm.s32 @!p0 $0x2;
	p1 =	seq.s32 @!p0 s16, $0x27;
	[sflag:s13] =	ssyncadd.s32 $0xFFFFC000  }
0x28: {  	p1 =	por p0, !p1;
	_ =	swait.ge @!p0 [sflag:s17], $0x4000  }
.Ltmp4:
0x29: {  	[sflag:s17] =	ssyncset.done @!p0 $0x0;
	(pc) =	sbr.rel @!p1 .LBB2_4-.Ltmp4, $4  }
0x2a: {  	[sflag:s17] =	ssyncadd.s32 @!p0 $0xFFFFC000  }
0x2b: {  	_ =	swait.ge @!p0 [sflag:s17], $0x4000  }
0x2c: {  	s19 =	sshll.u32 s16, $0xF;
	[sflag:s17] =	ssyncset.done @!p0 $0x0  }
0x2d: {  	s18 =	sand.u32 $0x8000, s19;
	[sflag:s17] =	ssyncadd.s32 @!p0 $0xFFFFC000;
	s17 =	simm.s32 @!p0 $0x28  }
0x2e: {  	s17 =	sadd.s32 @!p0 $0x1, s16  }
0x2f: {  	s17 =	simm.s32 @p0 $0x1  }
.Ltmp5:
0x30: {  	s20 =	sshll.u32 s17, $0x8;
	(pc) =	sbr.rel .LBB2_4-.Ltmp5, $4  }
0x31: {  	s21 =	ssub.s32 $0xA800, s18;
	s20 =	sand.u32 $0x3FFFFF00, s20  }
0x32: {  	[tilespmem:s21], [sflag:$0x1] =	stream.indirect.gather [hbm4b:s1+s10], $0x80, s20, s10, $0xb8;
	[tilespmem:$0x12800] =	vst v63  }
0x33: {  	s31 =	ssub.s32 $0xE800, s18;
	s20 =	sor.u32 $0x80, s20  }
0x34: {  	[tilespmem:s31], [sflag:$0x1] =	stream.indirect.gather [hbm4b:s1+s10], $0x80, s20, s10, $0xb8;
	[tilespmem:$0x12800] =	vst v63  }
.LBB2_6:
0x35: {  	_ =	sfence.sel $0x180000  }
0x36: {  	[bflag:$0x0] =	sbarrier.arrive $0xFFFF  }
0x37: {  	p0 =	sne.s32 s0, $0x0;
	_ =	strace $0x90000047  }
0x38: {  	s0 =	sadd.s32 @!p0 $0x100000, s2;
	[bflag:$0x2] =	sbarrier.arrive $0xFFFF  }
0x39: {  	[sflag:s0] =	ssyncadd.tile.s32 @!p0 $0x1;
	_ =	shalt  }
.Lfunc_end2:
_tile_overlayer_lowered:
.L_overlay_start_2:
0x3a: {  	(tag) =	ssettag $0x2  }
0x3b: {  	s0 =	rddreg [dreg:$0x0];
	s2 =	stileid.u32  }
0x3c: {  	s1 =	rddreg [dreg:$0x1];
	p0 =	sne.s32 s2, $0x0  }
0x3d: {  	s3 =	rddreg [dreg:$0x2];
	[bflag:$0x3] =	sbarrier.arrive $0xFFFF;
	s2 =	simm.s32 @!p0 $0x1C03  }
0x3e: {  	[timem:s3], [sflag:s2] =	dma.local @!p0 [hbm:s0], s1  }
0x3f: {  	s0 =	simm.s32 @!p0 $0x3  }
0x40: {  	_ =	swait.ge @!p0 [sflag:s0], s1  }
0x41: {  	s1 =	ssub.s32 @!p0 $0x0, s1;
	[sflag:s0] =	ssyncset.done @!p0 $0x0  }
0x42: {  	[sflag:s0] =	ssyncadd.s32 @!p0 s1  }
0x43: {  	[bflag:$0x3] =	sbarrier.arrive $0xFFFF  }
0x44: {  	_ =	shalt  }

</sc_bundles>
